<compile_context>
chip_gen: v7x
topology: tpu7x:2x2x1
jax: 0.10.2.dev20260603
libtpu: 0.0.44.dev20260713+nightly
codegen_flags: <defaults>
</compile_context>

<pallas_src>
import functools

import jax
import jax.numpy as jnp
from jax import lax
from jax.experimental import pallas as pl
from jax.experimental.pallas import tpu as pltpu
from jax.experimental.pallas import tpu_sc as plsc

_NC = 32
_UNROLL = 8
_LANES = 128
_ROWS = 16384


def kernel(inputs, centers):
    shape = inputs.shape
    n = inputs.size
    nw = 32
    rows_per_w = _ROWS // nw
    x2d = inputs.reshape(_ROWS, _LANES)
    w = jnp.ones((_NC,), jnp.float32)
    c0 = centers[0]
    h = centers[1] - c0
    params = jnp.zeros((16,), jnp.float32).at[0].set(c0).at[1].set(1.0 / h)
    mesh = plsc.VectorSubcoreMesh(core_axis_name="c", subcore_axis_name="s")

    @functools.partial(
        pl.kernel,
        mesh=mesh,
        out_type=jax.ShapeDtypeStruct((_ROWS, _LANES), jnp.float32),
        scratch_types=[
            pltpu.VMEM((rows_per_w, _LANES), jnp.float32),
            pltpu.VMEM((16,), jnp.float32),
            pltpu.VMEM((_NC,), jnp.float32),
        ],
    )
    def k(x_hbm, p_hbm, w_hbm, out_hbm, buf, pv, wv):
        wid = lax.axis_index("s") * 2 + lax.axis_index("c")
        base = wid * rows_per_w
        pltpu.sync_copy(p_hbm, pv)
        pltpu.sync_copy(w_hbm, wv)
        pltpu.sync_copy(x_hbm.at[pl.ds(base, rows_per_w)], buf)
        w_lo = wv[pl.ds(0, 16)]
        w_hi = wv[pl.ds(16, 16)]
        pvec = pv[pl.ds(0, 16)]
        c0 = pvec[0]
        inv_h = pvec[1]

        def body(i, carry):
            for j in range(_UNROLL):
                xv = buf[i, pl.ds(j * 16, 16)]
                u5 = (xv - c0) * inv_h + 0.5
                uc = jnp.minimum(jnp.maximum(u5, 0.0), float(_NC) - 0.5)
                idx = uc.astype(jnp.int32)
                m = idx & 15
                hi = idx >= 16
                g_lo = w_lo.at[m].get(mode='promise_in_bounds')
                g_hi = w_hi.at[m].get(mode='promise_in_bounds')
                qhard = jnp.where(hi, g_hi, g_lo)
                buf[i, pl.ds(j * 16, 16)] = qhard
            return carry

        lax.fori_loop(0, rows_per_w, body, 0)
        pltpu.sync_copy(buf, out_hbm.at[pl.ds(base, rows_per_w)])

    out = k(x2d, params, w)
    return out.reshape(shape)

# --- scband reference (transcript-rebuilt; emitter-appended) ---
"""Pipeline reference for scband-quantize-34222299414818 (READ-ONLY COPY).

The authoritative reference and input builder live on the scoring server;
editing this copy changes nothing except your own understanding.
"""

import jax, jax.numpy as jnp
import numpy as np

NUM_CENTERS = 32

def linspace_init(num_centers):
    minval = -2.0
    maxval = 2.0
    sep = maxval - minval
    return jnp.arange(minval, maxval, sep / num_centers, dtype=jnp.float32)

def setup_inputs(seed: int = 0) -> dict:
    key = jax.random.key(seed)
    k_inp, = jax.random.split(key, 1)
    inputs = jax.random.normal(k_inp, (8, 512, 512), dtype=jnp.float32)
    centers = linspace_init(NUM_CENTERS)
    return {"inputs": inputs, "centers": centers}

def reference(inputs, centers):
    num_centers = centers.shape[0]
    # no mask path: c = ones(numCenters)
    c = jnp.ones((num_centers,), dtype=jnp.float32)
    inp = jnp.expand_dims(inputs, -1)
    dist = inp - centers
    phi = jnp.square(jnp.abs(dist))
    qsoft = jax.nn.softmax(-1.0 * phi, axis=-1)
    symbols = jnp.argmax(jnp.abs(qsoft), axis=-1)
    qsoft_red = jnp.sum(qsoft * c, axis=-1)
    one_hot_enc = jax.nn.one_hot(symbols, num_centers, dtype=jnp.float32)
    qhard = one_hot_enc * c
    qhard = jnp.sum(qhard, axis=-1)
    qbar = qsoft_red + jax.lax.stop_gradient(qhard - qsoft_red)
    return qbar

if __name__ == "__main__":
    import jax
    _d = setup_inputs()
    print(jax.jit(kernel)(*tuple(_d.values())))

</pallas_src>

<mosaic_0001>
#map = affine_map<(d0, d1) -> (0, 0)>
#map1 = affine_map<(d0, d1) -> (0)>
module attributes {stable_mosaic.version = 14 : i64} {
  func.func @k(%arg0: i32, %arg1: i32, %arg2: memref<16384x128xf32, #tpu.memory_space<hbm>>, %arg3: memref<16xf32, #tpu.memory_space<hbm>>, %arg4: memref<32xf32, #tpu.memory_space<hbm>>, %arg5: memref<16384x128xf32, #tpu.memory_space<hbm>>, %arg6: memref<512x128xf32, #tpu.memory_space<vmem>>, %arg7: memref<16xf32, #tpu.memory_space<vmem>>, %arg8: memref<32xf32, #tpu.memory_space<vmem>>) attributes {dimension_semantics = [#tpu.dimension_semantics<core_parallel>, #tpu.dimension_semantics<subcore_parallel>], iteration_bounds = array<i64: 2, 16>, scalar_prefetch = 0 : i64, scratch_operands = 3 : i64, tpu.core_type = #tpu.core_type<sc_vector_subcore>, window_params = [{transform_indices = #map}, {transform_indices = #map1}, {transform_indices = #map1}, {transform_indices = #map}]} {
    %mul3A = arith.constant 2 : i32
    %mul3A_0 = arith.muli %arg1, %mul3A : i32
    %add3A = arith.addi %mul3A_0, %arg0 : i32
    %mul3A_1 = arith.constant 512 : i32
    %mul3A_2 = arith.muli %add3A, %mul3A_1 : i32
    "tpu.region"() ({
      %run_scoped3A = tpu.sem_alloc : memref<!tpu.dma_semaphore, #tpu.memory_space<semaphore_mem>>
      tpu.enqueue_dma source(%arg3 : memref<16xf32, #tpu.memory_space<hbm>>) target(%arg7 : memref<16xf32, #tpu.memory_space<vmem>>) target_semaphore(%run_scoped3A : memref<!tpu.dma_semaphore, #tpu.memory_space<semaphore_mem>>)
      tpu.wait_dma2 semaphore(%run_scoped3A : memref<!tpu.dma_semaphore, #tpu.memory_space<semaphore_mem>>) src(%arg3 : memref<16xf32, #tpu.memory_space<hbm>>) dst(%arg7 : memref<16xf32, #tpu.memory_space<vmem>>)
      tpu.yield
    }) : () -> ()
    "tpu.region"() ({
      %run_scoped3A = tpu.sem_alloc : memref<!tpu.dma_semaphore, #tpu.memory_space<semaphore_mem>>
      tpu.enqueue_dma source(%arg4 : memref<32xf32, #tpu.memory_space<hbm>>) target(%arg8 : memref<32xf32, #tpu.memory_space<vmem>>) target_semaphore(%run_scoped3A : memref<!tpu.dma_semaphore, #tpu.memory_space<semaphore_mem>>)
      tpu.wait_dma2 semaphore(%run_scoped3A : memref<!tpu.dma_semaphore, #tpu.memory_space<semaphore_mem>>) src(%arg4 : memref<32xf32, #tpu.memory_space<hbm>>) dst(%arg8 : memref<32xf32, #tpu.memory_space<vmem>>)
      tpu.yield
    }) : () -> ()
    "tpu.region"() ({
      %run_scoped3A = tpu.sem_alloc : memref<!tpu.dma_semaphore, #tpu.memory_space<semaphore_mem>>
      %dma_start3A = arith.constant 0 : i32
      %dma_start3A_18 = tpu.memref_slice %arg2[%mul3A_2, %dma_start3A] : memref<16384x128xf32, #tpu.memory_space<hbm>> -> memref<512x128xf32, #tpu.memory_space<hbm>>
      %dma_start3A_19 = arith.constant 0 : i32
      %dma_start3A_20 = tpu.memref_slice %arg2[%mul3A_2, %dma_start3A_19] : memref<16384x128xf32, #tpu.memory_space<hbm>> -> memref<512x128xf32, #tpu.memory_space<hbm>>
      tpu.enqueue_dma source(%dma_start3A_20 : memref<512x128xf32, #tpu.memory_space<hbm>>) target(%arg6 : memref<512x128xf32, #tpu.memory_space<vmem>>) target_semaphore(%run_scoped3A : memref<!tpu.dma_semaphore, #tpu.memory_space<semaphore_mem>>)
      %dma_wait3A = arith.constant 0 : i32
      %dma_wait3A_21 = tpu.memref_slice %arg2[%mul3A_2, %dma_wait3A] : memref<16384x128xf32, #tpu.memory_space<hbm>> -> memref<512x128xf32, #tpu.memory_space<hbm>>
      %dma_wait3A_22 = arith.constant 0 : i32
      %dma_wait3A_23 = tpu.memref_slice %arg2[%mul3A_2, %dma_wait3A_22] : memref<16384x128xf32, #tpu.memory_space<hbm>> -> memref<512x128xf32, #tpu.memory_space<hbm>>
      tpu.wait_dma2 semaphore(%run_scoped3A : memref<!tpu.dma_semaphore, #tpu.memory_space<semaphore_mem>>) src(%dma_wait3A_23 : memref<512x128xf32, #tpu.memory_space<hbm>>) dst(%arg6 : memref<512x128xf32, #tpu.memory_space<vmem>>)
      tpu.yield
    }) : () -> ()
    %get3A = arith.constant 0 : index
    %get3A_3 = tpu.vector_load %arg8[%get3A] {strides = array<i32>} : memref<32xf32, #tpu.memory_space<vmem>>, vector<16xf32>,
    %get3A_4 = vector.shape_cast %get3A_3 : vector<16xf32> to vector<16xf32>
    %get3A_5 = arith.constant 16 : index
    %get3A_6 = tpu.vector_load %arg8[%get3A_5] {strides = array<i32>} : memref<32xf32, #tpu.memory_space<vmem>>, vector<16xf32>,
    %get3A_7 = vector.shape_cast %get3A_6 : vector<16xf32> to vector<16xf32>
    %get3A_8 = arith.constant 0 : index
    %get3A_9 = tpu.vector_load %arg7[%get3A_8] {strides = array<i32>} : memref<16xf32, #tpu.memory_space<vmem>>, vector<16xf32>,
    %get3A_10 = vector.shape_cast %get3A_9 : vector<16xf32> to vector<16xf32>
    %slice3A = vector.extract_strided_slice %get3A_10 {offsets = [0], sizes = [1], strides = [1]} : vector<16xf32> to vector<1xf32>
    %squeeze3A = vector.extract %slice3A[0] : f32 from vector<1xf32>
    %slice3A_11 = vector.extract_strided_slice %get3A_10 {offsets = [1], sizes = [1], strides = [1]} : vector<16xf32> to vector<1xf32>
    %squeeze3A_12 = vector.extract %slice3A_11[0] : f32 from vector<1xf32>
    %scan3A = arith.constant 0 : i32
    %scan3A_13 = arith.constant 0 : i32
    %scan3A_14 = arith.constant 512 : i32
    %scan3A_15 = arith.addi %scan3A_13, %scan3A_14 : i32
    %scan3A_16 = arith.constant 1 : i32
    scf.for %scan3A_18 = %scan3A_13 to %scan3A_15 step %scan3A_16  : i32 {
      %get3A_19 = arith.index_cast %scan3A_18 : i32 to index
      %get3A_20 = arith.constant 0 : index
      %get3A_21 = tpu.vector_load %arg6[%get3A_19, %get3A_20] {strides = array<i32>} : memref<512x128xf32, #tpu.memory_space<vmem>>, vector<1x16xf32>,
      %get3A_22 = vector.shape_cast %get3A_21 : vector<1x16xf32> to vector<16xf32>
      %sub3A = vector.broadcast %squeeze3A : f32 to vector<16xf32>
      %sub3A_23 = arith.subf %get3A_22, %sub3A : vector<16xf32>
      %mul3A_24 = vector.broadcast %squeeze3A_12 : f32 to vector<16xf32>
      %mul3A_25 = arith.mulf %sub3A_23, %mul3A_24 : vector<16xf32>
      %add3A_26 = arith.constant 5.000000e-01 : f32
      %add3A_27 = vector.broadcast %add3A_26 : f32 to vector<16xf32>
      %add3A_28 = arith.addf %mul3A_25, %add3A_27 : vector<16xf32>
      %max3A = arith.constant 0.000000e+00 : f32
      %max3A_29 = vector.broadcast %max3A : f32 to vector<16xf32>
      %max3A_30 = arith.maximumf %add3A_28, %max3A_29 : vector<16xf32>
      %min3A = arith.constant 3.150000e+01 : f32
      %min3A_31 = vector.broadcast %min3A : f32 to vector<16xf32>
      %min3A_32 = arith.minimumf %max3A_30, %min3A_31 : vector<16xf32>
      %convert_element_type3A = arith.fptosi %min3A_32 : vector<16xf32> to vector<16xi32>
      %and3A = arith.constant 15 : i32
      %and3A_33 = vector.broadcast %and3A : i32 to vector<16xi32>
      %and3A_34 = arith.andi %convert_element_type3A, %and3A_33 : vector<16xi32>
      %ge3A = arith.constant 16 : i32
      %ge3A_35 = vector.broadcast %ge3A : i32 to vector<16xi32>
      %ge3A_36 = arith.cmpi sge, %convert_element_type3A, %ge3A_35 : vector<16xi32>
      %lt3A = arith.constant 0 : i32
      %lt3A_37 = vector.broadcast %lt3A : i32 to vector<16xi32>
      %lt3A_38 = arith.cmpi slt, %and3A_34, %lt3A_37 : vector<16xi32>
      %add3A_39 = arith.constant 16 : i32
      %add3A_40 = vector.broadcast %add3A_39 : i32 to vector<16xi32>
      %add3A_41 = arith.addi %and3A_34, %add3A_40 : vector<16xi32>
      %select_n3A = arith.select %lt3A_38, %add3A_41, %and3A_34 : vector<16xi1>, vector<16xi32>
      %broadcast_in_dim3A = vector.shape_cast %select_n3A : vector<16xi32> to vector<16x1xi32>
      %gather3A = vector.shape_cast %broadcast_in_dim3A : vector<16x1xi32> to vector<16xi32>
      %gather3A_42 = tpu.dynamic_gather %get3A_4[%gather3A] in [0] : vector<16xf32>, vector<16xi32> -> vector<16xf32>
      %lt3A_43 = arith.constant 0 : i32
      %lt3A_44 = vector.broadcast %lt3A_43 : i32 to vector<16xi32>
      %lt3A_45 = arith.cmpi slt, %and3A_34, %lt3A_44 : vector<16xi32>
      %add3A_46 = arith.constant 16 : i32
      %add3A_47 = vector.broadcast %add3A_46 : i32 to vector<16xi32>
      %add3A_48 = arith.addi %and3A_34, %add3A_47 : vector<16xi32>
      %select_n3A_49 = arith.select %lt3A_45, %add3A_48, %and3A_34 : vector<16xi1>, vector<16xi32>
      %broadcast_in_dim3A_50 = vector.shape_cast %select_n3A_49 : vector<16xi32> to vector<16x1xi32>
      %gather3A_51 = vector.shape_cast %broadcast_in_dim3A_50 : vector<16x1xi32> to vector<16xi32>
      %gather3A_52 = tpu.dynamic_gather %get3A_7[%gather3A_51] in [0] : vector<16xf32>, vector<16xi32> -> vector<16xf32>
      %select_n3A_53 = arith.select %ge3A_36, %gather3A_52, %gather3A_42 : vector<16xi1>, vector<16xf32>
      %swap3A = arith.index_cast %scan3A_18 : i32 to index
      %swap3A_54 = arith.constant 0 : index
      %swap3A_55 = tpu.vector_load %arg6[%swap3A, %swap3A_54] {strides = array<i32>} : memref<512x128xf32, #tpu.memory_space<vmem>>, vector<1x16xf32>,
      %swap3A_56 = vector.shape_cast %swap3A_55 : vector<1x16xf32> to vector<16xf32>
      %swap3A_57 = vector.shape_cast %select_n3A_53 : vector<16xf32> to vector<1x16xf32>
      tpu.vector_store %arg6[%swap3A, %swap3A_54], %swap3A_57 {strides = array<i32>} : memref<512x128xf32, #tpu.memory_space<vmem>>, vector<1x16xf32>,
      %get3A_58 = arith.index_cast %scan3A_18 : i32 to index
      %get3A_59 = arith.constant 16 : index
      %get3A_60 = tpu.vector_load %arg6[%get3A_58, %get3A_59] {strides = array<i32>} : memref<512x128xf32, #tpu.memory_space<vmem>>, vector<1x16xf32>,
      %get3A_61 = vector.shape_cast %get3A_60 : vector<1x16xf32> to vector<16xf32>
      %sub3A_62 = vector.broadcast %squeeze3A : f32 to vector<16xf32>
      %sub3A_63 = arith.subf %get3A_61, %sub3A_62 : vector<16xf32>
      %mul3A_64 = vector.broadcast %squeeze3A_12 : f32 to vector<16xf32>
      %mul3A_65 = arith.mulf %sub3A_63, %mul3A_64 : vector<16xf32>
      %add3A_66 = arith.constant 5.000000e-01 : f32
      %add3A_67 = vector.broadcast %add3A_66 : f32 to vector<16xf32>
      %add3A_68 = arith.addf %mul3A_65, %add3A_67 : vector<16xf32>
      %max3A_69 = arith.constant 0.000000e+00 : f32
      %max3A_70 = vector.broadcast %max3A_69 : f32 to vector<16xf32>
      %max3A_71 = arith.maximumf %add3A_68, %max3A_70 : vector<16xf32>
      %min3A_72 = arith.constant 3.150000e+01 : f32
      %min3A_73 = vector.broadcast %min3A_72 : f32 to vector<16xf32>
      %min3A_74 = arith.minimumf %max3A_71, %min3A_73 : vector<16xf32>
      %convert_element_type3A_75 = arith.fptosi %min3A_74 : vector<16xf32> to vector<16xi32>
      %and3A_76 = arith.constant 15 : i32
      %and3A_77 = vector.broadcast %and3A_76 : i32 to vector<16xi32>
      %and3A_78 = arith.andi %convert_element_type3A_75, %and3A_77 : vector<16xi32>
      %ge3A_79 = arith.constant 16 : i32
      %ge3A_80 = vector.broadcast %ge3A_79 : i32 to vector<16xi32>
      %ge3A_81 = arith.cmpi sge, %convert_element_type3A_75, %ge3A_80 : vector<16xi32>
      %lt3A_82 = arith.constant 0 : i32
      %lt3A_83 = vector.broadcast %lt3A_82 : i32 to vector<16xi32>
      %lt3A_84 = arith.cmpi slt, %and3A_78, %lt3A_83 : vector<16xi32>
      %add3A_85 = arith.constant 16 : i32
      %add3A_86 = vector.broadcast %add3A_85 : i32 to vector<16xi32>
      %add3A_87 = arith.addi %and3A_78, %add3A_86 : vector<16xi32>
      %select_n3A_88 = arith.select %lt3A_84, %add3A_87, %and3A_78 : vector<16xi1>, vector<16xi32>
      %broadcast_in_dim3A_89 = vector.shape_cast %select_n3A_88 : vector<16xi32> to vector<16x1xi32>
      %gather3A_90 = vector.shape_cast %broadcast_in_dim3A_89 : vector<16x1xi32> to vector<16xi32>
      %gather3A_91 = tpu.dynamic_gather %get3A_4[%gather3A_90] in [0] : vector<16xf32>, vector<16xi32> -> vector<16xf32>
      %lt3A_92 = arith.constant 0 : i32
      %lt3A_93 = vector.broadcast %lt3A_92 : i32 to vector<16xi32>
      %lt3A_94 = arith.cmpi slt, %and3A_78, %lt3A_93 : vector<16xi32>
      %add3A_95 = arith.constant 16 : i32
      %add3A_96 = vector.broadcast %add3A_95 : i32 to vector<16xi32>
      %add3A_97 = arith.addi %and3A_78, %add3A_96 : vector<16xi32>
      %select_n3A_98 = arith.select %lt3A_94, %add3A_97, %and3A_78 : vector<16xi1>, vector<16xi32>
      %broadcast_in_dim3A_99 = vector.shape_cast %select_n3A_98 : vector<16xi32> to vector<16x1xi32>
      %gather3A_100 = vector.shape_cast %broadcast_in_dim3A_99 : vector<16x1xi32> to vector<16xi32>
      %gather3A_101 = tpu.dynamic_gather %get3A_7[%gather3A_100] in [0] : vector<16xf32>, vector<16xi32> -> vector<16xf32>
      %select_n3A_102 = arith.select %ge3A_81, %gather3A_101, %gather3A_91 : vector<16xi1>, vector<16xf32>
      %swap3A_103 = arith.index_cast %scan3A_18 : i32 to index
      %swap3A_104 = arith.constant 16 : index
      %swap3A_105 = tpu.vector_load %arg6[%swap3A_103, %swap3A_104] {strides = array<i32>} : memref<512x128xf32, #tpu.memory_space<vmem>>, vector<1x16xf32>,
      %swap3A_106 = vector.shape_cast %swap3A_105 : vector<1x16xf32> to vector<16xf32>
      %swap3A_107 = vector.shape_cast %select_n3A_102 : vector<16xf32> to vector<1x16xf32>
      tpu.vector_store %arg6[%swap3A_103, %swap3A_104], %swap3A_107 {strides = array<i32>} : memref<512x128xf32, #tpu.memory_space<vmem>>, vector<1x16xf32>,
      %get3A_108 = arith.index_cast %scan3A_18 : i32 to index
      %get3A_109 = arith.constant 32 : index
      %get3A_110 = tpu.vector_load %arg6[%get3A_108, %get3A_109] {strides = array<i32>} : memref<512x128xf32, #tpu.memory_space<vmem>>, vector<1x16xf32>,
      %get3A_111 = vector.shape_cast %get3A_110 : vector<1x16xf32> to vector<16xf32>
      %sub3A_112 = vector.broadcast %squeeze3A : f32 to vector<16xf32>
      %sub3A_113 = arith.subf %get3A_111, %sub3A_112 : vector<16xf32>
      %mul3A_114 = vector.broadcast %squeeze3A_12 : f32 to vector<16xf32>
      %mul3A_115 = arith.mulf %sub3A_113, %mul3A_114 : vector<16xf32>
      %add3A_116 = arith.constant 5.000000e-01 : f32
      %add3A_117 = vector.broadcast %add3A_116 : f32 to vector<16xf32>
      %add3A_118 = arith.addf %mul3A_115, %add3A_117 : vector<16xf32>
      %max3A_119 = arith.constant 0.000000e+00 : f32
      %max3A_120 = vector.broadcast %max3A_119 : f32 to vector<16xf32>
      %max3A_121 = arith.maximumf %add3A_118, %max3A_120 : vector<16xf32>
      %min3A_122 = arith.constant 3.150000e+01 : f32
      %min3A_123 = vector.broadcast %min3A_122 : f32 to vector<16xf32>
      %min3A_124 = arith.minimumf %max3A_121, %min3A_123 : vector<16xf32>
      %convert_element_type3A_125 = arith.fptosi %min3A_124 : vector<16xf32> to vector<16xi32>
      %and3A_126 = arith.constant 15 : i32
      %and3A_127 = vector.broadcast %and3A_126 : i32 to vector<16xi32>
      %and3A_128 = arith.andi %convert_element_type3A_125, %and3A_127 : vector<16xi32>
      %ge3A_129 = arith.constant 16 : i32
      %ge3A_130 = vector.broadcast %ge3A_129 : i32 to vector<16xi32>
      %ge3A_131 = arith.cmpi sge, %convert_element_type3A_125, %ge3A_130 : vector<16xi32>
      %lt3A_132 = arith.constant 0 : i32
      %lt3A_133 = vector.broadcast %lt3A_132 : i32 to vector<16xi32>
      %lt3A_134 = arith.cmpi slt, %and3A_128, %lt3A_133 : vector<16xi32>
      %add3A_135 = arith.constant 16 : i32
      %add3A_136 = vector.broadcast %add3A_135 : i32 to vector<16xi32>
      %add3A_137 = arith.addi %and3A_128, %add3A_136 : vector<16xi32>
      %select_n3A_138 = arith.select %lt3A_134, %add3A_137, %and3A_128 : vector<16xi1>, vector<16xi32>
      %broadcast_in_dim3A_139 = vector.shape_cast %select_n3A_138 : vector<16xi32> to vector<16x1xi32>
      %gather3A_140 = vector.shape_cast %broadcast_in_dim3A_139 : vector<16x1xi32> to vector<16xi32>
      %gather3A_141 = tpu.dynamic_gather %get3A_4[%gather3A_140] in [0] : vector<16xf32>, vector<16xi32> -> vector<16xf32>
      %lt3A_142 = arith.constant 0 : i32
      %lt3A_143 = vector.broadcast %lt3A_142 : i32 to vector<16xi32>
      %lt3A_144 = arith.cmpi slt, %and3A_128, %lt3A_143 : vector<16xi32>
      %add3A_145 = arith.constant 16 : i32
      %add3A_146 = vector.broadcast %add3A_145 : i32 to vector<16xi32>
      %add3A_147 = arith.addi %and3A_128, %add3A_146 : vector<16xi32>
      %select_n3A_148 = arith.select %lt3A_144, %add3A_147, %and3A_128 : vector<16xi1>, vector<16xi32>
      %broadcast_in_dim3A_149 = vector.shape_cast %select_n3A_148 : vector<16xi32> to vector<16x1xi32>
      %gather3A_150 = vector.shape_cast %broadcast_in_dim3A_149 : vector<16x1xi32> to vector<16xi32>
      %gather3A_151 = tpu.dynamic_gather %get3A_7[%gather3A_150] in [0] : vector<16xf32>, vector<16xi32> -> vector<16xf32>
      %select_n3A_152 = arith.select %ge3A_131, %gather3A_151, %gather3A_141 : vector<16xi1>, vector<16xf32>
      %swap3A_153 = arith.index_cast %scan3A_18 : i32 to index
      %swap3A_154 = arith.constant 32 : index
      %swap3A_155 = tpu.vector_load %arg6[%swap3A_153, %swap3A_154] {strides = array<i32>} : memref<512x128xf32, #tpu.memory_space<vmem>>, vector<1x16xf32>,
      %swap3A_156 = vector.shape_cast %swap3A_155 : vector<1x16xf32> to vector<16xf32>
      %swap3A_157 = vector.shape_cast %select_n3A_152 : vector<16xf32> to vector<1x16xf32>
      tpu.vector_store %arg6[%swap3A_153, %swap3A_154], %swap3A_157 {strides = array<i32>} : memref<512x128xf32, #tpu.memory_space<vmem>>, vector<1x16xf32>,
      %get3A_158 = arith.index_cast %scan3A_18 : i32 to index
      %get3A_159 = arith.constant 48 : index
      %get3A_160 = tpu.vector_load %arg6[%get3A_158, %get3A_159] {strides = array<i32>} : memref<512x128xf32, #tpu.memory_space<vmem>>, vector<1x16xf32>,
      %get3A_161 = vector.shape_cast %get3A_160 : vector<1x16xf32> to vector<16xf32>
      %sub3A_162 = vector.broadcast %squeeze3A : f32 to vector<16xf32>
      %sub3A_163 = arith.subf %get3A_161, %sub3A_162 : vector<16xf32>
      %mul3A_164 = vector.broadcast %squeeze3A_12 : f32 to vector<16xf32>
      %mul3A_165 = arith.mulf %sub3A_163, %mul3A_164 : vector<16xf32>
      %add3A_166 = arith.constant 5.000000e-01 : f32
      %add3A_167 = vector.broadcast %add3A_166 : f32 to vector<16xf32>
      %add3A_168 = arith.addf %mul3A_165, %add3A_167 : vector<16xf32>
      %max3A_169 = arith.constant 0.000000e+00 : f32
      %max3A_170 = vector.broadcast %max3A_169 : f32 to vector<16xf32>
      %max3A_171 = arith.maximumf %add3A_168, %max3A_170 : vector<16xf32>
      %min3A_172 = arith.constant 3.150000e+01 : f32
      %min3A_173 = vector.broadcast %min3A_172 : f32 to vector<16xf32>
      %min3A_174 = arith.minimumf %max3A_171, %min3A_173 : vector<16xf32>
      %convert_element_type3A_175 = arith.fptosi %min3A_174 : vector<16xf32> to vector<16xi32>
      %and3A_176 = arith.constant 15 : i32
      %and3A_177 = vector.broadcast %and3A_176 : i32 to vector<16xi32>
      %and3A_178 = arith.andi %convert_element_type3A_175, %and3A_177 : vector<16xi32>
      %ge3A_179 = arith.constant 16 : i32
      %ge3A_180 = vector.broadcast %ge3A_179 : i32 to vector<16xi32>
      %ge3A_181 = arith.cmpi sge, %convert_element_type3A_175, %ge3A_180 : vector<16xi32>
      %lt3A_182 = arith.constant 0 : i32
      %lt3A_183 = vector.broadcast %lt3A_182 : i32 to vector<16xi32>
      %lt3A_184 = arith.cmpi slt, %and3A_178, %lt3A_183 : vector<16xi32>
      %add3A_185 = arith.constant 16 : i32
      %add3A_186 = vector.broadcast %add3A_185 : i32 to vector<16xi32>
      %add3A_187 = arith.addi %and3A_178, %add3A_186 : vector<16xi32>
      %select_n3A_188 = arith.select %lt3A_184, %add3A_187, %and3A_178 : vector<16xi1>, vector<16xi32>
      %broadcast_in_dim3A_189 = vector.shape_cast %select_n3A_188 : vector<16xi32> to vector<16x1xi32>
      %gather3A_190 = vector.shape_cast %broadcast_in_dim3A_189 : vector<16x1xi32> to vector<16xi32>
      %gather3A_191 = tpu.dynamic_gather %get3A_4[%gather3A_190] in [0] : vector<16xf32>, vector<16xi32> -> vector<16xf32>
      %lt3A_192 = arith.constant 0 : i32
      %lt3A_193 = vector.broadcast %lt3A_192 : i32 to vector<16xi32>
      %lt3A_194 = arith.cmpi slt, %and3A_178, %lt3A_193 : vector<16xi32>
      %add3A_195 = arith.constant 16 : i32
      %add3A_196 = vector.broadcast %add3A_195 : i32 to vector<16xi32>
      %add3A_197 = arith.addi %and3A_178, %add3A_196 : vector<16xi32>
      %select_n3A_198 = arith.select %lt3A_194, %add3A_197, %and3A_178 : vector<16xi1>, vector<16xi32>
      %broadcast_in_dim3A_199 = vector.shape_cast %select_n3A_198 : vector<16xi32> to vector<16x1xi32>
      %gather3A_200 = vector.shape_cast %broadcast_in_dim3A_199 : vector<16x1xi32> to vector<16xi32>
      %gather3A_201 = tpu.dynamic_gather %get3A_7[%gather3A_200] in [0] : vector<16xf32>, vector<16xi32> -> vector<16xf32>
      %select_n3A_202 = arith.select %ge3A_181, %gather3A_201, %gather3A_191 : vector<16xi1>, vector<16xf32>
      %swap3A_203 = arith.index_cast %scan3A_18 : i32 to index
      %swap3A_204 = arith.constant 48 : index
      %swap3A_205 = tpu.vector_load %arg6[%swap3A_203, %swap3A_204] {strides = array<i32>} : memref<512x128xf32, #tpu.memory_space<vmem>>, vector<1x16xf32>,
      %swap3A_206 = vector.shape_cast %swap3A_205 : vector<1x16xf32> to vector<16xf32>
      %swap3A_207 = vector.shape_cast %select_n3A_202 : vector<16xf32> to vector<1x16xf32>
      tpu.vector_store %arg6[%swap3A_203, %swap3A_204], %swap3A_207 {strides = array<i32>} : memref<512x128xf32, #tpu.memory_space<vmem>>, vector<1x16xf32>,
      %get3A_208 = arith.index_cast %scan3A_18 : i32 to index
      %get3A_209 = arith.constant 64 : index
      %get3A_210 = tpu.vector_load %arg6[%get3A_208, %get3A_209] {strides = array<i32>} : memref<512x128xf32, #tpu.memory_space<vmem>>, vector<1x16xf32>,
      %get3A_211 = vector.shape_cast %get3A_210 : vector<1x16xf32> to vector<16xf32>
      %sub3A_212 = vector.broadcast %squeeze3A : f32 to vector<16xf32>
      %sub3A_213 = arith.subf %get3A_211, %sub3A_212 : vector<16xf32>
      %mul3A_214 = vector.broadcast %squeeze3A_12 : f32 to vector<16xf32>
      %mul3A_215 = arith.mulf %sub3A_213, %mul3A_214 : vector<16xf32>
      %add3A_216 = arith.constant 5.000000e-01 : f32
      %add3A_217 = vector.broadcast %add3A_216 : f32 to vector<16xf32>
      %add3A_218 = arith.addf %mul3A_215, %add3A_217 : vector<16xf32>
      %max3A_219 = arith.constant 0.000000e+00 : f32
      %max3A_220 = vector.broadcast %max3A_219 : f32 to vector<16xf32>
      %max3A_221 = arith.maximumf %add3A_218, %max3A_220 : vector<16xf32>
      %min3A_222 = arith.constant 3.150000e+01 : f32
      %min3A_223 = vector.broadcast %min3A_222 : f32 to vector<16xf32>
      %min3A_224 = arith.minimumf %max3A_221, %min3A_223 : vector<16xf32>
      %convert_element_type3A_225 = arith.fptosi %min3A_224 : vector<16xf32> to vector<16xi32>
      %and3A_226 = arith.constant 15 : i32
      %and3A_227 = vector.broadcast %and3A_226 : i32 to vector<16xi32>
      %and3A_228 = arith.andi %convert_element_type3A_225, %and3A_227 : vector<16xi32>
      %ge3A_229 = arith.constant 16 : i32
      %ge3A_230 = vector.broadcast %ge3A_229 : i32 to vector<16xi32>
      %ge3A_231 = arith.cmpi sge, %convert_element_type3A_225, %ge3A_230 : vector<16xi32>
      %lt3A_232 = arith.constant 0 : i32
      %lt3A_233 = vector.broadcast %lt3A_232 : i32 to vector<16xi32>
      %lt3A_234 = arith.cmpi slt, %and3A_228, %lt3A_233 : vector<16xi32>
      %add3A_235 = arith.constant 16 : i32
      %add3A_236 = vector.broadcast %add3A_235 : i32 to vector<16xi32>
      %add3A_237 = arith.addi %and3A_228, %add3A_236 : vector<16xi32>
      %select_n3A_238 = arith.select %lt3A_234, %add3A_237, %and3A_228 : vector<16xi1>, vector<16xi32>
      %broadcast_in_dim3A_239 = vector.shape_cast %select_n3A_238 : vector<16xi32> to vector<16x1xi32>
      %gather3A_240 = vector.shape_cast %broadcast_in_dim3A_239 : vector<16x1xi32> to vector<16xi32>
      %gather3A_241 = tpu.dynamic_gather %get3A_4[%gather3A_240] in [0] : vector<16xf32>, vector<16xi32> -> vector<16xf32>
      %lt3A_242 = arith.constant 0 : i32
      %lt3A_243 = vector.broadcast %lt3A_242 : i32 to vector<16xi32>
      %lt3A_244 = arith.cmpi slt, %and3A_228, %lt3A_243 : vector<16xi32>
      %add3A_245 = arith.constant 16 : i32
      %add3A_246 = vector.broadcast %add3A_245 : i32 to vector<16xi32>
      %add3A_247 = arith.addi %and3A_228, %add3A_246 : vector<16xi32>
      %select_n3A_248 = arith.select %lt3A_244, %add3A_247, %and3A_228 : vector<16xi1>, vector<16xi32>
      %broadcast_in_dim3A_249 = vector.shape_cast %select_n3A_248 : vector<16xi32> to vector<16x1xi32>
      %gather3A_250 = vector.shape_cast %broadcast_in_dim3A_249 : vector<16x1xi32> to vector<16xi32>
      %gather3A_251 = tpu.dynamic_gather %get3A_7[%gather3A_250] in [0] : vector<16xf32>, vector<16xi32> -> vector<16xf32>
      %select_n3A_252 = arith.select %ge3A_231, %gather3A_251, %gather3A_241 : vector<16xi1>, vector<16xf32>
      %swap3A_253 = arith.index_cast %scan3A_18 : i32 to index
      %swap3A_254 = arith.constant 64 : index
      %swap3A_255 = tpu.vector_load %arg6[%swap3A_253, %swap3A_254] {strides = array<i32>} : memref<512x128xf32, #tpu.memory_space<vmem>>, vector<1x16xf32>,
      %swap3A_256 = vector.shape_cast %swap3A_255 : vector<1x16xf32> to vector<16xf32>
      %swap3A_257 = vector.shape_cast %select_n3A_252 : vector<16xf32> to vector<1x16xf32>
      tpu.vector_store %arg6[%swap3A_253, %swap3A_254], %swap3A_257 {strides = array<i32>} : memref<512x128xf32, #tpu.memory_space<vmem>>, vector<1x16xf32>,
      %get3A_258 = arith.index_cast %scan3A_18 : i32 to index
      %get3A_259 = arith.constant 80 : index
      %get3A_260 = tpu.vector_load %arg6[%get3A_258, %get3A_259] {strides = array<i32>} : memref<512x128xf32, #tpu.memory_space<vmem>>, vector<1x16xf32>,
      %get3A_261 = vector.shape_cast %get3A_260 : vector<1x16xf32> to vector<16xf32>
      %sub3A_262 = vector.broadcast %squeeze3A : f32 to vector<16xf32>
      %sub3A_263 = arith.subf %get3A_261, %sub3A_262 : vector<16xf32>
      %mul3A_264 = vector.broadcast %squeeze3A_12 : f32 to vector<16xf32>
      %mul3A_265 = arith.mulf %sub3A_263, %mul3A_264 : vector<16xf32>
      %add3A_266 = arith.constant 5.000000e-01 : f32
      %add3A_267 = vector.broadcast %add3A_266 : f32 to vector<16xf32>
      %add3A_268 = arith.addf %mul3A_265, %add3A_267 : vector<16xf32>
      %max3A_269 = arith.constant 0.000000e+00 : f32
      %max3A_270 = vector.broadcast %max3A_269 : f32 to vector<16xf32>
      %max3A_271 = arith.maximumf %add3A_268, %max3A_270 : vector<16xf32>
      %min3A_272 = arith.constant 3.150000e+01 : f32
      %min3A_273 = vector.broadcast %min3A_272 : f32 to vector<16xf32>
      %min3A_274 = arith.minimumf %max3A_271, %min3A_273 : vector<16xf32>
      %convert_element_type3A_275 = arith.fptosi %min3A_274 : vector<16xf32> to vector<16xi32>
      %and3A_276 = arith.constant 15 : i32
      %and3A_277 = vector.broadcast %and3A_276 : i32 to vector<16xi32>
      %and3A_278 = arith.andi %convert_element_type3A_275, %and3A_277 : vector<16xi32>
      %ge3A_279 = arith.constant 16 : i32
      %ge3A_280 = vector.broadcast %ge3A_279 : i32 to vector<16xi32>
      %ge3A_281 = arith.cmpi sge, %convert_element_type3A_275, %ge3A_280 : vector<16xi32>
      %lt3A_282 = arith.constant 0 : i32
      %lt3A_283 = vector.broadcast %lt3A_282 : i32 to vector<16xi32>
      %lt3A_284 = arith.cmpi slt, %and3A_278, %lt3A_283 : vector<16xi32>
      %add3A_285 = arith.constant 16 : i32
      %add3A_286 = vector.broadcast %add3A_285 : i32 to vector<16xi32>
      %add3A_287 = arith.addi %and3A_278, %add3A_286 : vector<16xi32>
      %select_n3A_288 = arith.select %lt3A_284, %add3A_287, %and3A_278 : vector<16xi1>, vector<16xi32>
      %broadcast_in_dim3A_289 = vector.shape_cast %select_n3A_288 : vector<16xi32> to vector<16x1xi32>
      %gather3A_290 = vector.shape_cast %broadcast_in_dim3A_289 : vector<16x1xi32> to vector<16xi32>
      %gather3A_291 = tpu.dynamic_gather %get3A_4[%gather3A_290] in [0] : vector<16xf32>, vector<16xi32> -> vector<16xf32>
      %lt3A_292 = arith.constant 0 : i32
      %lt3A_293 = vector.broadcast %lt3A_292 : i32 to vector<16xi32>
      %lt3A_294 = arith.cmpi slt, %and3A_278, %lt3A_293 : vector<16xi32>
      %add3A_295 = arith.constant 16 : i32
      %add3A_296 = vector.broadcast %add3A_295 : i32 to vector<16xi32>
      %add3A_297 = arith.addi %and3A_278, %add3A_296 : vector<16xi32>
      %select_n3A_298 = arith.select %lt3A_294, %add3A_297, %and3A_278 : vector<16xi1>, vector<16xi32>
      %broadcast_in_dim3A_299 = vector.shape_cast %select_n3A_298 : vector<16xi32> to vector<16x1xi32>
      %gather3A_300 = vector.shape_cast %broadcast_in_dim3A_299 : vector<16x1xi32> to vector<16xi32>
      %gather3A_301 = tpu.dynamic_gather %get3A_7[%gather3A_300] in [0] : vector<16xf32>, vector<16xi32> -> vector<16xf32>
      %select_n3A_302 = arith.select %ge3A_281, %gather3A_301, %gather3A_291 : vector<16xi1>, vector<16xf32>
      %swap3A_303 = arith.index_cast %scan3A_18 : i32 to index
      %swap3A_304 = arith.constant 80 : index
      %swap3A_305 = tpu.vector_load %arg6[%swap3A_303, %swap3A_304] {strides = array<i32>} : memref<512x128xf32, #tpu.memory_space<vmem>>, vector<1x16xf32>,
      %swap3A_306 = vector.shape_cast %swap3A_305 : vector<1x16xf32> to vector<16xf32>
      %swap3A_307 = vector.shape_cast %select_n3A_302 : vector<16xf32> to vector<1x16xf32>
      tpu.vector_store %arg6[%swap3A_303, %swap3A_304], %swap3A_307 {strides = array<i32>} : memref<512x128xf32, #tpu.memory_space<vmem>>, vector<1x16xf32>,
      %get3A_308 = arith.index_cast %scan3A_18 : i32 to index
      %get3A_309 = arith.constant 96 : index
      %get3A_310 = tpu.vector_load %arg6[%get3A_308, %get3A_309] {strides = array<i32>} : memref<512x128xf32, #tpu.memory_space<vmem>>, vector<1x16xf32>,
      %get3A_311 = vector.shape_cast %get3A_310 : vector<1x16xf32> to vector<16xf32>
      %sub3A_312 = vector.broadcast %squeeze3A : f32 to vector<16xf32>
      %sub3A_313 = arith.subf %get3A_311, %sub3A_312 : vector<16xf32>
      %mul3A_314 = vector.broadcast %squeeze3A_12 : f32 to vector<16xf32>
      %mul3A_315 = arith.mulf %sub3A_313, %mul3A_314 : vector<16xf32>
      %add3A_316 = arith.constant 5.000000e-01 : f32
      %add3A_317 = vector.broadcast %add3A_316 : f32 to vector<16xf32>
      %add3A_318 = arith.addf %mul3A_315, %add3A_317 : vector<16xf32>
      %max3A_319 = arith.constant 0.000000e+00 : f32
      %max3A_320 = vector.broadcast %max3A_319 : f32 to vector<16xf32>
      %max3A_321 = arith.maximumf %add3A_318, %max3A_320 : vector<16xf32>
      %min3A_322 = arith.constant 3.150000e+01 : f32
      %min3A_323 = vector.broadcast %min3A_322 : f32 to vector<16xf32>
      %min3A_324 = arith.minimumf %max3A_321, %min3A_323 : vector<16xf32>
      %convert_element_type3A_325 = arith.fptosi %min3A_324 : vector<16xf32> to vector<16xi32>
      %and3A_326 = arith.constant 15 : i32
      %and3A_327 = vector.broadcast %and3A_326 : i32 to vector<16xi32>
      %and3A_328 = arith.andi %convert_element_type3A_325, %and3A_327 : vector<16xi32>
      %ge3A_329 = arith.constant 16 : i32
      %ge3A_330 = vector.broadcast %ge3A_329 : i32 to vector<16xi32>
      %ge3A_331 = arith.cmpi sge, %convert_element_type3A_325, %ge3A_330 : vector<16xi32>
      %lt3A_332 = arith.constant 0 : i32
      %lt3A_333 = vector.broadcast %lt3A_332 : i32 to vector<16xi32>
      %lt3A_334 = arith.cmpi slt, %and3A_328, %lt3A_333 : vector<16xi32>
      %add3A_335 = arith.constant 16 : i32
      %add3A_336 = vector.broadcast %add3A_335 : i32 to vector<16xi32>
      %add3A_337 = arith.addi %and3A_328, %add3A_336 : vector<16xi32>
      %select_n3A_338 = arith.select %lt3A_334, %add3A_337, %and3A_328 : vector<16xi1>, vector<16xi32>
      %broadcast_in_dim3A_339 = vector.shape_cast %select_n3A_338 : vector<16xi32> to vector<16x1xi32>
      %gather3A_340 = vector.shape_cast %broadcast_in_dim3A_339 : vector<16x1xi32> to vector<16xi32>
      %gather3A_341 = tpu.dynamic_gather %get3A_4[%gather3A_340] in [0] : vector<16xf32>, vector<16xi32> -> vector<16xf32>
      %lt3A_342 = arith.constant 0 : i32
      %lt3A_343 = vector.broadcast %lt3A_342 : i32 to vector<16xi32>
      %lt3A_344 = arith.cmpi slt, %and3A_328, %lt3A_343 : vector<16xi32>
      %add3A_345 = arith.constant 16 : i32
      %add3A_346 = vector.broadcast %add3A_345 : i32 to vector<16xi32>
      %add3A_347 = arith.addi %and3A_328, %add3A_346 : vector<16xi32>
      %select_n3A_348 = arith.select %lt3A_344, %add3A_347, %and3A_328 : vector<16xi1>, vector<16xi32>
      %broadcast_in_dim3A_349 = vector.shape_cast %select_n3A_348 : vector<16xi32> to vector<16x1xi32>
      %gather3A_350 = vector.shape_cast %broadcast_in_dim3A_349 : vector<16x1xi32> to vector<16xi32>
      %gather3A_351 = tpu.dynamic_gather %get3A_7[%gather3A_350] in [0] : vector<16xf32>, vector<16xi32> -> vector<16xf32>
      %select_n3A_352 = arith.select %ge3A_331, %gather3A_351, %gather3A_341 : vector<16xi1>, vector<16xf32>
      %swap3A_353 = arith.index_cast %scan3A_18 : i32 to index
      %swap3A_354 = arith.constant 96 : index
      %swap3A_355 = tpu.vector_load %arg6[%swap3A_353, %swap3A_354] {strides = array<i32>} : memref<512x128xf32, #tpu.memory_space<vmem>>, vector<1x16xf32>,
      %swap3A_356 = vector.shape_cast %swap3A_355 : vector<1x16xf32> to vector<16xf32>
      %swap3A_357 = vector.shape_cast %select_n3A_352 : vector<16xf32> to vector<1x16xf32>
      tpu.vector_store %arg6[%swap3A_353, %swap3A_354], %swap3A_357 {strides = array<i32>} : memref<512x128xf32, #tpu.memory_space<vmem>>, vector<1x16xf32>,
      %get3A_358 = arith.index_cast %scan3A_18 : i32 to index
      %get3A_359 = arith.constant 112 : index
      %get3A_360 = tpu.vector_load %arg6[%get3A_358, %get3A_359] {strides = array<i32>} : memref<512x128xf32, #tpu.memory_space<vmem>>, vector<1x16xf32>,
      %get3A_361 = vector.shape_cast %get3A_360 : vector<1x16xf32> to vector<16xf32>
      %sub3A_362 = vector.broadcast %squeeze3A : f32 to vector<16xf32>
      %sub3A_363 = arith.subf %get3A_361, %sub3A_362 : vector<16xf32>
      %mul3A_364 = vector.broadcast %squeeze3A_12 : f32 to vector<16xf32>
      %mul3A_365 = arith.mulf %sub3A_363, %mul3A_364 : vector<16xf32>
      %add3A_366 = arith.constant 5.000000e-01 : f32
      %add3A_367 = vector.broadcast %add3A_366 : f32 to vector<16xf32>
      %add3A_368 = arith.addf %mul3A_365, %add3A_367 : vector<16xf32>
      %max3A_369 = arith.constant 0.000000e+00 : f32
      %max3A_370 = vector.broadcast %max3A_369 : f32 to vector<16xf32>
      %max3A_371 = arith.maximumf %add3A_368, %max3A_370 : vector<16xf32>
      %min3A_372 = arith.constant 3.150000e+01 : f32
      %min3A_373 = vector.broadcast %min3A_372 : f32 to vector<16xf32>
      %min3A_374 = arith.minimumf %max3A_371, %min3A_373 : vector<16xf32>
      %convert_element_type3A_375 = arith.fptosi %min3A_374 : vector<16xf32> to vector<16xi32>
      %and3A_376 = arith.constant 15 : i32
      %and3A_377 = vector.broadcast %and3A_376 : i32 to vector<16xi32>
      %and3A_378 = arith.andi %convert_element_type3A_375, %and3A_377 : vector<16xi32>
      %ge3A_379 = arith.constant 16 : i32
      %ge3A_380 = vector.broadcast %ge3A_379 : i32 to vector<16xi32>
      %ge3A_381 = arith.cmpi sge, %convert_element_type3A_375, %ge3A_380 : vector<16xi32>
      %lt3A_382 = arith.constant 0 : i32
      %lt3A_383 = vector.broadcast %lt3A_382 : i32 to vector<16xi32>
      %lt3A_384 = arith.cmpi slt, %and3A_378, %lt3A_383 : vector<16xi32>
      %add3A_385 = arith.constant 16 : i32
      %add3A_386 = vector.broadcast %add3A_385 : i32 to vector<16xi32>
      %add3A_387 = arith.addi %and3A_378, %add3A_386 : vector<16xi32>
      %select_n3A_388 = arith.select %lt3A_384, %add3A_387, %and3A_378 : vector<16xi1>, vector<16xi32>
      %broadcast_in_dim3A_389 = vector.shape_cast %select_n3A_388 : vector<16xi32> to vector<16x1xi32>
      %gather3A_390 = vector.shape_cast %broadcast_in_dim3A_389 : vector<16x1xi32> to vector<16xi32>
      %gather3A_391 = tpu.dynamic_gather %get3A_4[%gather3A_390] in [0] : vector<16xf32>, vector<16xi32> -> vector<16xf32>
      %lt3A_392 = arith.constant 0 : i32
      %lt3A_393 = vector.broadcast %lt3A_392 : i32 to vector<16xi32>
      %lt3A_394 = arith.cmpi slt, %and3A_378, %lt3A_393 : vector<16xi32>
      %add3A_395 = arith.constant 16 : i32
      %add3A_396 = vector.broadcast %add3A_395 : i32 to vector<16xi32>
      %add3A_397 = arith.addi %and3A_378, %add3A_396 : vector<16xi32>
      %select_n3A_398 = arith.select %lt3A_394, %add3A_397, %and3A_378 : vector<16xi1>, vector<16xi32>
      %broadcast_in_dim3A_399 = vector.shape_cast %select_n3A_398 : vector<16xi32> to vector<16x1xi32>
      %gather3A_400 = vector.shape_cast %broadcast_in_dim3A_399 : vector<16x1xi32> to vector<16xi32>
      %gather3A_401 = tpu.dynamic_gather %get3A_7[%gather3A_400] in [0] : vector<16xf32>, vector<16xi32> -> vector<16xf32>
      %select_n3A_402 = arith.select %ge3A_381, %gather3A_401, %gather3A_391 : vector<16xi1>, vector<16xf32>
      %swap3A_403 = arith.index_cast %scan3A_18 : i32 to index
      %swap3A_404 = arith.constant 112 : index
      %swap3A_405 = tpu.vector_load %arg6[%swap3A_403, %swap3A_404] {strides = array<i32>} : memref<512x128xf32, #tpu.memory_space<vmem>>, vector<1x16xf32>,
      %swap3A_406 = vector.shape_cast %swap3A_405 : vector<1x16xf32> to vector<16xf32>
      %swap3A_407 = vector.shape_cast %select_n3A_402 : vector<16xf32> to vector<1x16xf32>
      tpu.vector_store %arg6[%swap3A_403, %swap3A_404], %swap3A_407 {strides = array<i32>} : memref<512x128xf32, #tpu.memory_space<vmem>>, vector<1x16xf32>,
    }
    %scan3A_17 = arith.constant 512 : i32
    "tpu.region"() ({
      %run_scoped3A = tpu.sem_alloc : memref<!tpu.dma_semaphore, #tpu.memory_space<semaphore_mem>>
      %dma_start3A = arith.constant 0 : i32
      %dma_start3A_18 = tpu.memref_slice %arg5[%mul3A_2, %dma_start3A] : memref<16384x128xf32, #tpu.memory_space<hbm>> -> memref<512x128xf32, #tpu.memory_space<hbm>>
      %dma_start3A_19 = arith.constant 0 : i32
      %dma_start3A_20 = tpu.memref_slice %arg5[%mul3A_2, %dma_start3A_19] : memref<16384x128xf32, #tpu.memory_space<hbm>> -> memref<512x128xf32, #tpu.memory_space<hbm>>
      tpu.enqueue_dma source(%arg6 : memref<512x128xf32, #tpu.memory_space<vmem>>) target(%dma_start3A_20 : memref<512x128xf32, #tpu.memory_space<hbm>>) target_semaphore(%run_scoped3A : memref<!tpu.dma_semaphore, #tpu.memory_space<semaphore_mem>>)
      %dma_wait3A = arith.constant 0 : i32
      %dma_wait3A_21 = tpu.memref_slice %arg5[%mul3A_2, %dma_wait3A] : memref<16384x128xf32, #tpu.memory_space<hbm>> -> memref<512x128xf32, #tpu.memory_space<hbm>>
      %dma_wait3A_22 = arith.constant 0 : i32
      %dma_wait3A_23 = tpu.memref_slice %arg5[%mul3A_2, %dma_wait3A_22] : memref<16384x128xf32, #tpu.memory_space<hbm>> -> memref<512x128xf32, #tpu.memory_space<hbm>>
      tpu.wait_dma2 semaphore(%run_scoped3A : memref<!tpu.dma_semaphore, #tpu.memory_space<semaphore_mem>>) src(%arg6 : memref<512x128xf32, #tpu.memory_space<vmem>>) dst(%dma_wait3A_23 : memref<512x128xf32, #tpu.memory_space<hbm>>)
      tpu.yield
    }) : () -> ()
    return
  }
}

</mosaic_0001>

<sc_bundles>
// kernel: kernel.3.cloned.1.call-start
scs
__scs_entry_jumppad:
0x0: {  	(pc) =	sbr.rel $0x88, $3  }
0x1: {  	(tag) =	ssettag $0x0;
	lr =	simm.s32 $0x1  }
0x2: {  	[smem:$0x3F9F] =	sst lr;
	_ =	strace $0xD0000000  }
0x3: {  	_ = 	snop  }
0x4: {  	_ = 	snop  }
0x5: {  	_ = 	snop  }
0x6: {  	_ = 	snop  }
0x7: {  	_ = 	snop  }
__scs_overlays_trampoline_lowered:
0x8: {  	[smem:$0x3FAE] =	sst s0  }
0x9: {  	[smem:$0x3FAF] =	sst s1  }
0xa: {  	[smem:$0x3FB0] =	sst s2  }
0xb: {  	[smem:$0x3FB1] =	sst s3  }
0xc: {  	[smem:$0x3FB2] =	sst s4  }
0xd: {  	[smem:$0x3FB3] =	sst s5  }
0xe: {  	[smem:$0x3FB4] =	sst s6  }
0xf: {  	[smem:$0x3FB5] =	sst s7  }
0x10: {  	[smem:$0x3FB6] =	sst s8  }
0x11: {  	[smem:$0x3FB7] =	sst s9;
	s0 =	simm.s32 @!p0 $0x0  }
0x12: {  	s1 =	sld [smem:$0x3F9D];
	s0 =	simm.s32 @p0 $0x1  }
0x13: {  	[smem:$0x3FB8] =	sst s0;
	s0 =	simm.s32 @!p1 $0x0  }
0x14: {  	s2 =	sld [smem:$0x3F9C];
	s0 =	simm.s32 @p1 $0x1  }
0x15: {  	[smem:$0x3FB9] =	sst s0;
	s0 =	simm.s32 @!p2 $0x0  }
0x16: {  	s3 =	sld [smem:$0x3FDB];
	s0 =	simm.s32 @p2 $0x1  }
0x17: {  	s4 =	simm.s32 $0x1BF5;
	[smem:$0x3FBB] =	sst s0  }
0x18: {  	s0 =	sld [smem:$0x3F9E];
	_ =	swait.ge [sflag:s4], $0x0  }
0x19: {  	s7 =	sld [smem:$0x3F9F]  }
0x1a: {  	s8 =	sadd.s32 $0xFFFFE003, lr  }
0x1b: {  	s9 =	sadd.s32 $0xFFFFFEF7, lr;
	s5 =	simm.s32 $0xFFFFFFFF;
	p2 =	slt.u32 s8, $0xFFFFF086  }
0x1c: {  	p1 =	slt.u32 s9, $0xF7A;
	s5 =	simm.s32 @!p2 $0x0  }
0x1d: {  	s5 =	simm.s32 @p1 $0x1;
	p0 =	seq.s32 s7, s2  }
0x1e: {  	s7 =	smul.u32 @!p0 $0xF7A, s2;
	p2 =	seq.s32 @!p0 s5, $0x0  }
0x1f: {  	s9 =	smul.u32 $0xF7A, s1;
	s8 =	simm.s32 @!p0 $0x1BF5;
	p2 =	por !p2, p0  }
0x20: {  	[sflag:s8] =	ssyncset.s32 @!p0 $0xFFFFF086;
	s6 =	sadd.s32 @!p0 s3, s7;
	s7 =	simm.s32 @!p0 $0x108  }
0x21: {  	s3 =	sadd.s32 s3, s9;
	s6 =	sadd.s32 @!p0 $0x88, s6;
	s7 =	simm.s32 @p2 $0x1082  }
0x22: {  	[simem:s7], [sflag:s8] =	dma.local @!p0 [hbm:s6], $0xF7A  }
0x23: {  	s9 =	sor.u32 $0xD0000000, s2;
	s6 =	simm.s32 $0x108;
	_ =	swait.ge @!p0 [sflag:s8], $0x0  }
0x24: {  	s3 =	sadd.s32 $0x88, s3;
	s6 =	simm.s32 @!p1 $0x1082;
	[sflag:s4] =	ssyncset.s32 $0xFFFFF086  }
0x25: {  	[simem:s6], [sflag:s4] =	dma.local [hbm:s3], $0xF7A  }
0x26: {  	[smem:$0x3F9F] =	sst s1;
	(tag) =	ssettag s2;
	_ =	strace s9  }
0x27: {  	s1 =	sld [smem:$0x3FAF]  }
0x28: {  	s2 =	sld [smem:$0x3FB0]  }
0x29: {  	s4 =	sld [smem:$0x3FB2]  }
0x2a: {  	p0 =	seq.s32 s5, $0x0;
	s5 =	sld [smem:$0x3FB3]  }
0x2b: {  	s6 =	sld [smem:$0x3FB4]  }
0x2c: {  	s7 =	sld [smem:$0x3FB5]  }
0x2d: {  	s3 =	simm.s32 $0x108;
	s8 =	sld [smem:$0x3FB6]  }
0x2e: {  	s3 =	simm.s32 @!p0 $0x1082;
	s9 =	sld [smem:$0x3FB7]  }
0x2f: {  	lr =	sadd.s32 s0, s3;
	s0 =	sld [smem:$0x3FAE]  }
0x30: {  	s3 =	sld [smem:$0x3FB1]  }
0x31: {  	[smem:$0x3FBA] =	sst s10  }
0x32: {  	s10 =	sld [smem:$0x3FB8];
	_ =	sdelay $0x3  }
0x33: {  	p0 =	seq.s32 s10, $0x1;
	s10 =	sld [smem:$0x3FBA];
	_ =	sdelay $0x3  }
0x34: {  	[smem:$0x3FBA] =	sst s10  }
0x35: {  	s10 =	sld [smem:$0x3FB9];
	_ =	sdelay $0x3  }
0x36: {  	p1 =	seq.s32 s10, $0x1;
	s10 =	sld [smem:$0x3FBA];
	_ =	sdelay $0x3  }
0x37: {  	[smem:$0x3FBA] =	sst s10  }
0x38: {  	s10 =	sld [smem:$0x3FBB]  }
0x39: {  	_ = 	snop;
	(pc) =	sbr.ind lr, $3  }
0x3a: {  	_ = 	snop  }
0x3b: {  	_ = 	snop  }
0x3c: {  	p2 =	seq.s32 s10, $0x1;
	s10 =	sld [smem:$0x3FBA]  }
0x3d: {  	_ =	shalt  }
0x3e: {  	_ =	shalt  }
0x3f: {  	_ =	shalt  }
0x40: {  	_ =	shalt  }
0x41: {  	_ =	shalt  }
0x42: {  	_ =	shalt  }
0x43: {  	_ =	shalt  }
0x44: {  	_ =	shalt  }
0x45: {  	_ =	shalt  }
0x46: {  	_ =	shalt  }
0x47: {  	_ =	shalt  }
0x48: {  	_ =	shalt  }
0x49: {  	_ =	shalt  }
0x4a: {  	_ =	shalt  }
0x4b: {  	_ =	shalt  }
0x4c: {  	_ =	shalt  }
0x4d: {  	_ =	shalt  }
0x4e: {  	_ =	shalt  }
0x4f: {  	_ =	shalt  }
0x50: {  	_ =	shalt  }
0x51: {  	_ =	shalt  }
0x52: {  	_ =	shalt  }
0x53: {  	_ =	shalt  }
0x54: {  	_ =	shalt  }
0x55: {  	_ =	shalt  }
0x56: {  	_ =	shalt  }
0x57: {  	_ =	shalt  }
0x58: {  	_ =	shalt  }
0x59: {  	_ =	shalt  }
0x5a: {  	_ =	shalt  }
0x5b: {  	_ =	shalt  }
0x5c: {  	_ =	shalt  }
0x5d: {  	_ =	shalt  }
0x5e: {  	_ =	shalt  }
0x5f: {  	_ =	shalt  }
0x60: {  	_ =	shalt  }
0x61: {  	_ =	shalt  }
0x62: {  	_ =	shalt  }
0x63: {  	_ =	shalt  }
0x64: {  	_ =	shalt  }
0x65: {  	_ =	shalt  }
0x66: {  	_ =	shalt  }
0x67: {  	_ =	shalt  }
0x68: {  	_ =	shalt  }
0x69: {  	_ =	shalt  }
0x6a: {  	_ =	shalt  }
0x6b: {  	_ =	shalt  }
0x6c: {  	_ =	shalt  }
0x6d: {  	_ =	shalt  }
0x6e: {  	_ =	shalt  }
0x6f: {  	_ =	shalt  }
0x70: {  	_ =	shalt  }
0x71: {  	_ =	shalt  }
0x72: {  	_ =	shalt  }
0x73: {  	_ =	shalt  }
0x74: {  	_ =	shalt  }
0x75: {  	_ =	shalt  }
0x76: {  	_ =	shalt  }
0x77: {  	_ =	shalt  }
0x78: {  	_ =	shalt  }
0x79: {  	_ =	shalt  }
0x7a: {  	_ =	shalt  }
0x7b: {  	_ =	shalt  }
0x7c: {  	_ =	shalt  }
0x7d: {  	_ =	shalt  }
0x7e: {  	_ =	shalt  }
0x7f: {  	_ =	shalt  }
0x80: {  	_ =	shalt  }
0x81: {  	_ =	shalt  }
0x82: {  	_ =	shalt  }
0x83: {  	_ =	shalt  }
0x84: {  	_ =	shalt  }
0x85: {  	_ =	shalt  }
0x86: {  	_ =	shalt  }
0x87: {  	_ =	shalt  }
.Lfunc_end0:
.L_simem_size_0:
called_computation_lowered:
.L_overlay_start_0:
0x88: {  	s2 =	sld [smem:$0x3FD9]  }
0x89: {  	s3 =	sld [smem:$0x3FFE];
	_ =	sdelay $0x1  }
0x8a: {  	s1 =	srdreg.scid  }
0x8b: {  	s0 =	sand.u32 $0x1, s1  }
0x8c: {  	s17 =	sshll.u32 s0, $0xA;
	s2 =	sadd.s32 s3, s2  }
0x8d: {  	s2 =	sadd.s32 s2, s17  }
0x8e: {  	[smem:$0x3FC6] =	sst s2  }
0x8f: {  	_ = 	snop  }
0x90: {  	s2 =	sld [smem:$0x3FD0];
	(tm) =	ssettm $0x1  }
0x91: {  	s18 =	sld [smem:$0x3FFB];
	_ =	sdelay $0x3  }
0x92: {  	_ =	strace s18  }
0x93: {  	s3 =	sld [smem:$0x3FFC];
	_ =	sdelay $0x3  }
0x94: {  	_ =	strace s3  }
0x95: {  	s3 =	sld [smem:$0x3FFD];
	_ =	sdelay $0x3  }
0x96: {  	_ =	strace s3  }
0x97: {  	_ =	strace $0x8FFFFFFF  }
0x98: {  	s19 =	sld [smem:$0x3FDB];
	_ =	sdelay $0x1  }
0x99: {  	s4 =	simm.s32 $_scs_section_size  }
0x9a: {  	s5 =	simm.s32 $_size__tile_overlayer_lowered;
	s6 =	simm.s32 $_tile_overlayer_lowered  }
0x9b: {  	s22 =	simm.s32 $0x1BFF;
	s21 =	sshll.u32 s6, $0x1;
	s3 =	sadd.s32 s4, s19  }
0x9c: {  	s7 =	simm.s32 $0x0;
	s20 =	sshll.u32 s5, $0x1;
	s5 =	sadd.s32 s21, s3  }
0x9d: {  	[timem:s7], [sflag:s22] =	dma.local [hbm:s5], s20  }
0x9e: {  	_ =	swait.ge [sflag:s22], s20  }
0x9f: {  	s4 =	ssub.s32 $0x0, s20;
	[sflag:s22] =	ssyncset.done $0x0  }
0xa0: {  	[sflag:s22] =	ssyncadd.s32 s4;
	_ =	sdelay $0x1  }
0xa1: {  	s23 =	simm.s32 $0x1B8B  }
0xa2: {  	_ =	swait.ge [sflag:s23], $0x1  }
0xa3: {  	[sflag:s23] =	ssyncset.done $0x0  }
0xa4: {  	s25 =	simm.s32 $0x1B8E;
	s24 =	sld [smem:$0x3FFE];
	[sflag:s23] =	ssyncadd.s32 $0xFFFFFFFF  }
0xa5: {  	s26 =	simm.s32 $execute0_lowered;
	[smem:$0x3FD2] =	sst s25  }
0xa6: {  	s5 =	sshll.u32 s26, $0x1;
	_ =	strace $0x80000046;
	[dreg:$0x1] =	wrdreg $0xFFFFFFFF  }
0xa7: {  	s28 =	simm.s32 $_size_execute0_lowered;
	s3 =	sadd.s32 s3, s5;
	[dreg:$0x0] =	wrdreg $0x0  }
0xa8: {  	s5 =	sshll.u32 s28, $0x1;
	[dreg:$0x2] =	wrdreg s3  }
0xa9: {  	[dreg:$0x3] =	wrdreg s5  }
0xaa: {  	[dreg:$0x4] =	wrdreg $0xC0  }
0xab: {  	_ =	task [dreg:s7], $0x5FFFF  }
0xac: {  	[dreg:$0x1] =	wrdreg $0xFFFFFFFF  }
0xad: {  	[dreg:$0x0] =	wrdreg $0x60  }
0xae: {  	[dreg:$0x2] =	wrdreg s2  }
0xaf: {  	[dreg:$0x3] =	wrdreg s24  }
0xb0: {  	[dreg:$0x4] =	wrdreg $0x9  }
0xb1: {  	_ =	task.clear_ibuf [dreg:s7], $0x5FFFF;
	_ =	strace $0x90000046  }
0xb2: {  	s29 =	simm.s32 $0x9;
	_ =	strace $0x80000048  }
0xb3: {  	_ =	swait.ge [sflag:s29], $0x1  }
0xb4: {  	[sflag:s29] =	ssyncadd.s32 $0xFFFFFFFF  }
0xb5: {  	_ =	strace $0x90000048  }
0xb6: {  	_ =	sfence  }
0xb7: {  	s30 =	sld [smem:$0x0];
	_ =	sdelay $0x2  }
0xb8: {  	s31 =	sshll.u32 s1, $0xD;
	s1 =	sshrl.u32 s1, $0x2  }
0xb9: {  	s3 =	sand.u32 $0x4000, s31;
	s1 =	sadd.s32 s1, s30  }
0xba: {  	s0 =	sor.u32 s3, s0;
	s1 =	sshll.u32 s1, $0x11  }
0xbb: {  	s0 =	sor.u32 s1, s0  }
0xbc: {  	s0 =	sadd.s32 $0x8F2B, s0  }
0xbd: {  	[sflag:s0] =	ssyncadd.remote.s32 $0x1  }
0xbe: {  	_ =	sfence.sel $0xFFFF  }
0xbf: {  	[dreg:$0x0] =	wrdreg $0xFFFFFFFF;
	(pc) =	sbr.abs _section_cstart, $3  }
0xc0: {  	[dreg:$0x1] =	wrdreg $0xFFFFFFFF  }
0xc1: {  	_ =	task.clear_ibuf [dreg:s7], $0x2FFFF;
	_ =	strace $0x9FFFFFFF  }
0xc2: {  	(tm) =	ssettm $0x7FFFFFFF  }
0xc3: {  	_ =	shalt  }
tec
execute0_lowered:
.L_overlay_start_1:
0x0: {  	(tag) =	ssettag $0x1  }
0x1: {  	s5 =	rddreg [dreg:$0x0]  }
0x2: {  	s6 =	rddreg [dreg:$0x1]  }
0x3: {  	s0 =	rddreg [dreg:$0x2];
	s1 =	simm.s32 $0x0  }
0x4: {  	s4 =	srdreg.scid;
	s2 =	stileid.u32;
	s10 =	simm.s32 $0x10080  }
0x5: {  	s11 =	simm.s32 $0x0;
	[smem:$0x7FF] =	sst s1;
	s4 =	sand.u32 $0x1, s4  }
0x6: {  	s3 =	sadd.s32 $0x600, s6;
	s7 =	sshll.u32 s2, $0xE;
	s8 =	sshll.u32 s4, $0xD  }
0x7: {  	_ =	strace $0x80000047;
	s9 =	ssub.s32 $0x2, s4;
	s7 =	sor.u32 s8, s7  }
0x8: {  	s4 =	sadd.s32 $0x800, s6;
	s31 =	sshrl.u32 s9, $0x1;
	s6 =	sadd.s32 s7, s6  }
0x9: {  	s8 =	ssub.s32 s9, s31;
	s5 =	sadd.s32 s5, s7;
	s9 =	simm.s32 $0x1  }
0xa: {  	s6 =	sadd.s32 $0xA00, s6;
	s7 =	smax.u32 s8, $0x1;
	s8 =	simm.s32 $0x10000  }
.LBB2_1:
0xb: {  	[tilespmem:s8], [sflag:$0x1] =	stream.linear.gather [hbm4b:s3+s1], $0x80, $0x38;
	[tilespmem:$0x10100] =	vst v63  }
0xc: {  	_ =	swait.ge [sflag:s9], $0x80  }
0xd: {  	[sflag:s9] =	ssyncset.done $0x0  }
0xe: {  	[sflag:s9] =	ssyncadd.s32 $0xFFFFFF80  }
0xf: {  	[tilespmem:s10], [sflag:$0x1] =	stream.linear.gather [hbm4b:s4+s1], $0x80, $0x38;
	[tilespmem:$0x10100] =	vst v63  }
0x10: {  	_ =	swait.ge [sflag:s9], $0x80  }
0x11: {  	[sflag:s9] =	ssyncset.done $0x0  }
0x12: {  	[sflag:s9] =	ssyncadd.s32 $0xFFFFFF80  }
0x13: {  	[tilespmem:s1], [sflag:$0x1] =	stream.linear.gather [hbm4b:s5+s1], $0x10000, $0x38;
	[tilespmem:$0x10100] =	vst v63  }
0x14: {  	_ =	swait.ge [sflag:s9], $0x10000  }
0x15: {  	[sflag:s9] =	ssyncset.done $0x0  }
0x16: {  	[sflag:s9] =	ssyncadd.s32 $0xFFFF0000  }
0x17: {  	v0 =	vld [tilespmem:$0x10000]  }
0x18: {  	s12 =	simm.s32 $0x0  }
0x19: {  	v1 =	vld [tilespmem:s12+$0x70];
	_ =	sdelay $0x2  }
0x1a: {  	v4 =	vld [tilespmem:s12+$0x30];
	v3 =	vbroadcast v0, $0x0;
	_ =	sdelay $0x1  }
0x1b: {  	v2 =	vbroadcast v0, $0x1;
	v0 =	vsub.f32 v1, v3;
	_ =	sdelay $0x1  }
0x1c: {  	v0 =	vmul.f32 v0, v2  }
0x1d: {  	v5 =	vld [tilespmem:s12+$0x20];
	v4 =	vsub.f32 v4, v3  }
0x1e: {  	v6 =	vld [tilespmem:s12+$0x40];
	v1 =	vadd.f32 $5.000000000e-01, v0  }
0x1f: {  	v4 =	vmul.f32 v4, v2  }
0x20: {  	v9 =	vld [tilespmem:s12+$0x10];
	v1 =	vmax.f32 v1, $0.0e+00  }
0x21: {  	v0 =	vld [tilespmem:$0x10080];
	v4 =	vadd.f32 $5.000000000e-01, v4;
	v1 =	vmin.f32 v1, $3.150000000e+01  }
0x22: {  	v5 =	vsub.f32 v5, v3;
	v7 =	vtrunc.f32 v1;
	v1 =	vld [tilespmem:$0x10090]  }
0x23: {  	v11 =	vld [tilespmem:s12+$0x60];
	v6 =	vsub.f32 v6, v3;
	v4 =	vmax.f32 v4, $0.0e+00  }
0x24: {  	v5 =	vmul.f32 v5, v2;
	v4 =	vmin.f32 v4, $3.150000000e+01;
	v7 =	vcvt.f32.s32 v7  }
0x25: {  	v14 =	vsub.f32 v9, v3;
	v6 =	vmul.f32 v6, v2;
	v4 =	vtrunc.f32 v4  }
0x26: {  	v13 =	vadd.f32 $5.000000000e-01, v5;
	v4 =	vcvt.f32.s32 v4;
	v8 =	vand.u32 $0xF, v7  }
0x27: {  	v12 =	vld [tilespmem:s12+$0x50];
	v5 =	vadd.f32 $5.000000000e-01, v6;
	v10 =	vperm.xlane v0, v8;
	v8 =	vperm.xlane v1, v8  }
0x28: {  	v9 =	vsub.f32 v11, v3;
	vm0 =	vgt.s32 v7, $0xF;
	v6 =	vand.u32 $0xF, v4  }
0x29: {  	v10 =	vsel vm0, v8, v10;
	vm0 =	vgt.s32 v4, $0xF;
	v4 =	vmax.f32 v5, $0.0e+00;
	v5 =	vld [tilespmem:s12+$0x0]  }
0x2a: {  	v9 =	vmul.f32 v9, v2  }
0x2b: {  	v11 =	vmax.f32 v13, $0.0e+00;
	v7 =	vperm.xlane v1, v6;
	v8 =	vperm.xlane v0, v6  }
0x2c: {  	s13 =	simm.s32 $0x200;
	v6 =	vmin.f32 v4, $3.150000000e+01;
	[tilespmem:s12+$0x70] =	vst v10;
	v10 =	vmul.f32 v14, v2;
	v4 =	vsub.f32 v12, v3  }
.LBB2_2:
0x2d: {  	s14 =	sshra.s32 s13, $0x2;
	p0 =	sne.s32 s13, $0x3FE00;
	s13 =	sadd.s32 $0x200, s13;
	v11 =	vmin.f32 v11, $3.150000000e+01;
	v7 =	vsel vm0, v7, v8;
	v8 =	vadd.f32 $5.000000000e-01, v9  }
0x2e: {  	v9 =	vld [tilespmem:s14+$0x70];
	v5 =	vsub.f32 v5, v3;
	v10 =	vadd.f32 $5.000000000e-01, v10;
	v11 =	vtrunc.f32 v11;
	[tilespmem:s12+$0x30] =	vst v7  }
0x2f: {  	v6 =	vtrunc.f32 v6;
	v7 =	vld [tilespmem:s14+$0x30];
	v11 =	vcvt.f32.s32 v11;
	v8 =	vmax.f32 v8, $0.0e+00  }
0x30: {  	v6 =	vcvt.f32.s32 v6;
	v10 =	vmax.f32 v10, $0.0e+00;
	v8 =	vmin.f32 v8, $3.150000000e+01  }
0x31: {  	v4 =	vmul.f32 v4, v2;
	v12 =	vand.u32 $0xF, v11;
	vm0 =	vgt.s32 v11, $0xF  }
0x32: {  	v13 =	vand.u32 $0xF, v6;
	v10 =	vmin.f32 v10, $3.150000000e+01;
	v11 =	vperm.xlane v0, v12  }
0x33: {  	vm1 =	vgt.s32 v6, $0xF;
	v10 =	vtrunc.f32 v10;
	v12 =	vperm.xlane v1, v12  }
0x34: {  	v4 =	vadd.f32 $5.000000000e-01, v4;
	v6 =	vperm.xlane v0, v13;
	v8 =	vtrunc.f32 v8  }
0x35: {  	v9 =	vsub.f32 v9, v3;
	v11 =	vsel vm0, v12, v11;
	v12 =	vperm.xlane v1, v13  }
0x36: {  	v5 =	vmul.f32 v5, v2;
	v4 =	vmax.f32 v4, $0.0e+00;
	v8 =	vcvt.f32.s32 v8;
	[tilespmem:s12+$0x20] =	vst v11  }
0x37: {  	v10 =	vcvt.f32.s32 v10;
	v7 =	vsub.f32 v7, v3;
	v6 =	vsel vm1, v12, v6  }
0x38: {  	v5 =	vadd.f32 $5.000000000e-01, v5;
	v9 =	vmul.f32 v9, v2;
	[tilespmem:s12+$0x40] =	vst v6;
	v6 =	vand.u32 $0xF, v8  }
0x39: {  	v4 =	vmin.f32 v4, $3.150000000e+01;
	v7 =	vmul.f32 v7, v2;
	v11 =	vperm.xlane v0, v6  }
0x3a: {  	vm0 =	vgt.s32 v8, $0xF;
	v12 =	vand.u32 $0xF, v10;
	v9 =	vadd.f32 $5.000000000e-01, v9  }
0x3b: {  	v4 =	vtrunc.f32 v4;
	v7 =	vadd.f32 $5.000000000e-01, v7;
	v8 =	vperm.xlane v0, v12  }
0x3c: {  	v4 =	vcvt.f32.s32 v4;
	vm1 =	vgt.s32 v10, $0xF;
	v9 =	vmax.f32 v9, $0.0e+00  }
0x3d: {  	v5 =	vmax.f32 v5, $0.0e+00;
	v12 =	vperm.xlane v1, v12;
	v9 =	vmin.f32 v9, $3.150000000e+01;
	v10 =	vld [tilespmem:s14+$0x20]  }
0x3e: {  	v5 =	vmin.f32 v5, $3.150000000e+01;
	v6 =	vperm.xlane v1, v6;
	v9 =	vtrunc.f32 v9  }
0x3f: {  	v5 =	vtrunc.f32 v5;
	v7 =	vmax.f32 v7, $0.0e+00;
	v9 =	vcvt.f32.s32 v9;
	v13 =	vld [tilespmem:s14+$0x40]  }
0x40: {  	v8 =	vsel vm1, v12, v8;
	v12 =	vand.u32 $0xF, v4;
	v7 =	vmin.f32 v7, $3.150000000e+01  }
0x41: {  	v5 =	vcvt.f32.s32 v5;
	vm1 =	vgt.s32 v4, $0xF;
	v14 =	vand.u32 $0xF, v9;
	[tilespmem:s12+$0x10] =	vst v8  }
0x42: {  	v6 =	vsel vm0, v6, v11;
	v8 =	vperm.xlane v0, v12;
	v4 =	vsub.f32 v10, v3  }
0x43: {  	v15 =	vand.u32 $0xF, v5;
	v11 =	vperm.xlane v0, v14;
	v12 =	vperm.xlane v1, v12;
	v10 =	vld [tilespmem:s14+$0x10];
	[tilespmem:s12+$0x60] =	vst v6  }
0x44: {  	v16 =	vperm.xlane v0, v15;
	v4 =	vmul.f32 v4, v2;
	v6 =	vsub.f32 v13, v3;
	v13 =	vld [tilespmem:s14+$0x60]  }
0x45: {  	v15 =	vperm.xlane v1, v15;
	v7 =	vtrunc.f32 v7;
	v8 =	vsel vm1, v12, v8  }
0x46: {  	vm0 =	vgt.s32 v5, $0xF;
	v12 =	vperm.xlane v1, v14;
	v6 =	vmul.f32 v6, v2;
	[tilespmem:s12+$0x50] =	vst v8  }
0x47: {  	v5 =	vsel vm0, v15, v16;
	v7 =	vcvt.f32.s32 v7;
	vm1 =	vgt.s32 v9, $0xF;
	v14 =	vld [tilespmem:s14+$0x50]  }
.Ltmp0:
0x48: {  	v4 =	vadd.f32 $5.000000000e-01, v4;
	v8 =	vsel vm1, v12, v11;
	v6 =	vadd.f32 $5.000000000e-01, v6;
	[tilespmem:s12+$0x0] =	vst v5;
	s12 =	smov.u32 s14;
	(pc) =	sbr.rel @p0 .LBB2_2-.Ltmp0, $4  }
0x49: {  	v9 =	vand.u32 $0xF, v7;
	v10 =	vsub.f32 v10, v3;
	v5 =	vld [tilespmem:s12+$0x0];
	v11 =	vsub.f32 v13, v3;
	[tilespmem:s12+$0x70] =	vst v8  }
0x4a: {  	vm0 =	vgt.s32 v7, $0xF;
	v7 =	vperm.xlane v1, v9;
	v6 =	vmax.f32 v6, $0.0e+00  }
0x4b: {  	v8 =	vperm.xlane v0, v9;
	v6 =	vmin.f32 v6, $3.150000000e+01;
	v9 =	vmul.f32 v11, v2  }
0x4c: {  	v10 =	vmul.f32 v10, v2;
	v11 =	vmax.f32 v4, $0.0e+00;
	v4 =	vsub.f32 v14, v3  }
0x4d: {  	v11 =	vmin.f32 v11, $3.150000000e+01;
	v7 =	vsel vm0, v7, v8  }
0x4e: {  	v42 =	vadd.f32 $5.000000000e-01, v9;
	v6 =	vtrunc.f32 v6;
	v43 =	vadd.f32 $5.000000000e-01, v10  }
0x4f: {  	v44 =	vtrunc.f32 v11;
	v3 =	vsub.f32 v5, v3;
	v6 =	vcvt.f32.s32 v6  }
0x50: {  	v4 =	vmul.f32 v4, v2;
	v45 =	vcvt.f32.s32 v44;
	v8 =	vmax.f32 v42, $0.0e+00  }
0x51: {  	v9 =	vmax.f32 v43, $0.0e+00;
	v8 =	vmin.f32 v8, $3.150000000e+01;
	v48 =	vand.u32 $0xF, v6  }
0x52: {  	v4 =	vadd.f32 $5.000000000e-01, v4;
	v49 =	vmul.f32 v3, v2;
	vm1 =	vgt.s32 v6, $0xF  }
0x53: {  	v10 =	vand.u32 $0xF, v45;
	v8 =	vtrunc.f32 v8;
	v50 =	vperm.xlane v0, v48  }
0x54: {  	v46 =	vmin.f32 v9, $3.150000000e+01;
	v53 =	vperm.xlane v1, v48;
	v47 =	vperm.xlane v0, v10  }
0x55: {  	vm11 =	vgt.s32 v45, $0xF;
	v5 =	vtrunc.f32 v46;
	v10 =	vperm.xlane v1, v10  }
0x56: {  	v51 =	vcvt.f32.s32 v8;
	v4 =	vmax.f32 v4, $0.0e+00;
	v2 =	vadd.f32 $5.000000000e-01, v49  }
0x57: {  	v5 =	vcvt.f32.s32 v5;
	v3 =	vsel vm1, v53, v50;
	v4 =	vmin.f32 v4, $3.150000000e+01  }
0x58: {  	v52 =	vsel vm11, v10, v47;
	v54 =	vand.u32 $0xF, v51;
	v4 =	vtrunc.f32 v4  }
0x59: {  	v2 =	vmax.f32 v2, $0.0e+00;
	v55 =	vperm.xlane v0, v54;
	v56 =	vand.u32 $0xF, v5  }
0x5a: {  	v4 =	vcvt.f32.s32 v4;
	v2 =	vmin.f32 v2, $3.150000000e+01;
	v58 =	vperm.xlane v1, v54  }
0x5b: {  	vm12 =	vgt.s32 v51, $0xF;
	v12 =	vperm.xlane v0, v56;
	v2 =	vtrunc.f32 v2  }
0x5c: {  	[tilespmem:s12+$0x30] =	vst v7;
	vm13 =	vgt.s32 v5, $0xF;
	v57 =	vperm.xlane v1, v56;
	v2 =	vcvt.f32.s32 v2  }
0x5d: {  	[tilespmem:s12+$0x40] =	vst v3;
	v59 =	vand.u32 $0xF, v4;
	vm14 =	vgt.s32 v4, $0xF;
	v5 =	vsel vm12, v58, v55  }
0x5e: {  	[tilespmem:s12+$0x20] =	vst v52;
	v60 =	vperm.xlane v0, v59;
	v7 =	vperm.xlane v1, v59;
	v61 =	vand.u32 $0xF, v2  }
0x5f: {  	v6 =	vsel vm13, v57, v12;
	[tilespmem:s12+$0x60] =	vst v5;
	v62 =	vperm.xlane v0, v61;
	v63 =	vperm.xlane v1, v61  }
0x60: {  	s11 =	sadd.s32 $0x1, s11;
	[tilespmem:s12+$0x10] =	vst v6;
	vm15 =	vgt.s32 v2, $0xF;
	v3 =	vsel vm14, v7, v60  }
0x61: {  	p0 =	sne.s32 s11, s7;
	[tilespmem:s12+$0x50] =	vst v3;
	v0 =	vsel vm15, v63, v62  }
.Ltmp1:
0x62: {  	[tilespmem:s12+$0x0] =	vst v0;
	(pc) =	sbr.rel @p0 .LBB2_1-.Ltmp1, $4  }
0x63: {  	[hbm4b:s6+s1] =	stream.linear.scatter [tilespmem:s1], [sflag:$0x1], $0x10000, $0x38;
	[tilespmem:$0x10100] =	vst v63  }
0x64: {  	_ =	swait.ge [sflag:s9], $0x10000  }
0x65: {  	[sflag:s9] =	ssyncset.done $0x0  }
0x66: {  	[sflag:s9] =	ssyncadd.s32 $0xFFFF0000  }
0x67: {  	_ =	sfence.sel $0x180000  }
0x68: {  	[bflag:$0x0] =	sbarrier.arrive $0xFFFF  }
0x69: {  	p0 =	sne.s32 s2, $0x0;
	_ =	strace $0x90000047  }
0x6a: {  	s0 =	sadd.s32 @!p0 $0x100000, s0;
	[bflag:$0x2] =	sbarrier.arrive $0xFFFF  }
0x6b: {  	[sflag:s0] =	ssyncadd.tile.s32 @!p0 $0x1;
	_ =	shalt  }
.Lfunc_end2:
_tile_overlayer_lowered:
.L_overlay_start_2:
0x6c: {  	(tag) =	ssettag $0x2  }
0x6d: {  	s0 =	rddreg [dreg:$0x0];
	s2 =	stileid.u32  }
0x6e: {  	s1 =	rddreg [dreg:$0x1];
	p0 =	sne.s32 s2, $0x0  }
0x6f: {  	s3 =	rddreg [dreg:$0x2];
	[bflag:$0x3] =	sbarrier.arrive $0xFFFF;
	s2 =	simm.s32 @!p0 $0x1C01  }
0x70: {  	[timem:s3], [sflag:s2] =	dma.local @!p0 [hbm:s0], s1  }
0x71: {  	s0 =	simm.s32 @!p0 $0x1  }
0x72: {  	_ =	swait.ge @!p0 [sflag:s0], s1  }
0x73: {  	s1 =	ssub.s32 @!p0 $0x0, s1;
	[sflag:s0] =	ssyncset.done @!p0 $0x0  }
0x74: {  	[sflag:s0] =	ssyncadd.s32 @!p0 s1  }
0x75: {  	[bflag:$0x3] =	sbarrier.arrive $0xFFFF  }
0x76: {  	_ =	shalt  }

</sc_bundles>
